<compile_context>
chip_gen: v7x
topology: tpu7x:2x2x1
jax: 0.10.2.dev20260603
libtpu: 0.0.44.dev20260713+nightly
codegen_flags: <defaults>
</compile_context>

<pallas_src>
import functools

import jax
import jax.numpy as jnp
from jax import lax
from jax.experimental import pallas as pl
from jax.experimental.pallas import tpu as pltpu
from jax.experimental.pallas import tpu_sc as plsc

_NUM_ROUTE_COMMANDS = 8
_OUTPUT_DIM = 128
_BATCH = 16384


@functools.lru_cache(maxsize=None)
def _make_gather(batch: int, dim: int):
    info = plsc.get_sparse_core_info()
    nw = info.num_cores * info.num_subcores
    assert batch % (8 * nw) == 0
    b_per_w = batch // nw
    mesh = plsc.VectorSubcoreMesh(core_axis_name="c", subcore_axis_name="s")

    chunk = 128
    nch = b_per_w // chunk
    nbuf = 3
    assert nch >= nbuf

    @functools.partial(
        pl.kernel,
        mesh=mesh,
        out_type=[
            jax.ShapeDtypeStruct((batch, dim), jnp.float32),
            jax.ShapeDtypeStruct((batch,), jnp.int32),
        ],
        scratch_types=[
            pltpu.VMEM((b_per_w,), jnp.int32),
            pltpu.VMEM((nbuf, chunk, dim), jnp.float32),
            pltpu.VMEM_SHARED((_NUM_ROUTE_COMMANDS, dim), jnp.float32),
            pltpu.SemaphoreType.DMA,
            pltpu.SemaphoreType.DMA,
            pltpu.SemaphoreType.DMA,
        ],
    )
    def gather(ids_hbm, table_hbm, out_hbm, ids_out_hbm,
               idx_v, rows_v, table_sh, gsem, wsem, msem):
        sid = lax.axis_index("s")
        wid = sid * info.num_cores + lax.axis_index("c")
        base = wid * b_per_w

        icp = pltpu.async_copy(ids_hbm.at[pl.ds(base, b_per_w)], idx_v, wsem)

        @pl.when(sid == 0)
        def _():
            pltpu.sync_copy(table_hbm, table_sh)

        icp.wait()

        mcp = pltpu.async_copy(idx_v, ids_out_hbm.at[pl.ds(base, b_per_w)], msem)

        plsc.subcore_barrier()

        def start_gather(c):
            return pltpu.async_copy(
                table_sh.at[idx_v.at[pl.ds(c * chunk, chunk)]],
                rows_v.at[c % nbuf], gsem)

        g = [None] * nch
        writes = [None] * nch
        g[0] = start_gather(0)
        g[1] = start_gather(1)
        for c in range(nch):
            g[c].wait()
            if c >= nbuf - 1:
                writes[c - (nbuf - 1)].wait()
            if c + 2 < nch:
                g[c + 2] = start_gather(c + 2)
            writes[c] = pltpu.async_copy(
                rows_v.at[c % nbuf],
                out_hbm.at[pl.ds(base + c * chunk, chunk)], wsem)
        writes[nch - 2].wait()
        writes[nch - 1].wait()
        mcp.wait()

    return gather


def kernel(route_command_ids, embedding_weight):
    batch = route_command_ids.shape[0]
    dim = embedding_weight.shape[1]
    rows, ids = _make_gather(batch, dim)(
        route_command_ids.astype(jnp.int32), embedding_weight)
    tokens = rows.reshape(batch, 1, dim)
    valid_mask = jnp.ones((batch, 1), dtype=jnp.bool_)
    return (tokens, valid_mask, ids)

# --- scband reference (transcript-rebuilt; emitter-appended) ---
"""Pipeline reference for scband-route-command-encoder-24352464569419 (READ-ONLY COPY).

The authoritative reference and input builder live on the scoring server;
editing this copy changes nothing except your own understanding.
"""

import jax, jax.numpy as jnp
import numpy as np

NUM_ROUTE_COMMANDS = 8
OUTPUT_DIM = 128
BATCH = 16384


def setup_inputs(seed: int = 0) -> dict:
    key = jax.random.key(seed)
    k_ids, k_emb = jax.random.split(key)
    route_command_ids = jax.random.randint(k_ids, (BATCH,), 0, NUM_ROUTE_COMMANDS, dtype=jnp.int64 if jax.config.read('jax_enable_x64') else jnp.int32)
    # nn.Embedding default init: N(0, 1)
    embedding_weight = jax.random.normal(k_emb, (NUM_ROUTE_COMMANDS, OUTPUT_DIM), dtype=jnp.float32)
    return {"route_command_ids": route_command_ids, "embedding_weight": embedding_weight}


def reference(route_command_ids, embedding_weight):
    # forward: tokens = embedding(ids).unsqueeze(1)
    if route_command_ids.ndim != 1:
        raise ValueError(f"Expected route_command_ids with shape [B], got {route_command_ids.shape}")
    tokens = jnp.take(embedding_weight, route_command_ids, axis=0)[:, None, :]  # [B, 1, D]
    valid_mask = jnp.ones((route_command_ids.shape[0], 1), dtype=jnp.bool_)
    # torch version returns a dict {'route_ids': ids}; we return the array itself
    return (tokens, valid_mask, route_command_ids)

if __name__ == "__main__":
    import jax
    _d = setup_inputs()
    print(jax.jit(kernel)(*tuple(_d.values())))

</pallas_src>

<mosaic_0001>
#map = affine_map<(d0, d1) -> (0)>
#map1 = affine_map<(d0, d1) -> (0, 0)>
module attributes {stable_mosaic.version = 14 : i64} {
  func.func @gather(%arg0: i32, %arg1: i32, %arg2: memref<16384xi32, #tpu.memory_space<hbm>>, %arg3: memref<8x128xf32, #tpu.memory_space<hbm>>, %arg4: memref<16384x128xf32, #tpu.memory_space<hbm>>, %arg5: memref<16384xi32, #tpu.memory_space<hbm>>, %arg6: memref<512xi32, #tpu.memory_space<vmem>>, %arg7: memref<3x128x128xf32, #tpu.memory_space<vmem>>, %arg8: memref<8x128xf32, #tpu.memory_space<vmem_shared>>, %arg9: memref<!tpu.dma_semaphore, #tpu.memory_space<semaphore_mem>>, %arg10: memref<!tpu.dma_semaphore, #tpu.memory_space<semaphore_mem>>, %arg11: memref<!tpu.dma_semaphore, #tpu.memory_space<semaphore_mem>>) attributes {dimension_semantics = [#tpu.dimension_semantics<core_parallel>, #tpu.dimension_semantics<subcore_parallel>], iteration_bounds = array<i64: 2, 16>, scalar_prefetch = 0 : i64, scratch_operands = 6 : i64, tpu.core_type = #tpu.core_type<sc_vector_subcore>, window_params = [{transform_indices = #map}, {transform_indices = #map1}, {transform_indices = #map1}, {transform_indices = #map}]} {
    %mul3A = arith.constant 2 : i32
    %mul3A_0 = arith.muli %arg1, %mul3A : i32
    %add3A = arith.addi %mul3A_0, %arg0 : i32
    %mul3A_1 = arith.constant 512 : i32
    %mul3A_2 = arith.muli %add3A, %mul3A_1 : i32
    %dma_start3A = tpu.memref_slice %arg2[%mul3A_2] : memref<16384xi32, #tpu.memory_space<hbm>> -> memref<512xi32, #tpu.memory_space<hbm>>
    %dma_start3A_3 = tpu.memref_slice %arg2[%mul3A_2] : memref<16384xi32, #tpu.memory_space<hbm>> -> memref<512xi32, #tpu.memory_space<hbm>>
    tpu.enqueue_dma source(%dma_start3A_3 : memref<512xi32, #tpu.memory_space<hbm>>) target(%arg6 : memref<512xi32, #tpu.memory_space<vmem>>) target_semaphore(%arg10 : memref<!tpu.dma_semaphore, #tpu.memory_space<semaphore_mem>>)
    %eq3A = arith.constant 0 : i32
    %eq3A_4 = arith.cmpi eq, %arg1, %eq3A : i32
    %convert_element_type3A = arith.extui %eq3A_4 : i1 to i32
    %cond3A = arith.constant 0 : i32
    %cond3A_5 = arith.cmpi ne, %convert_element_type3A, %cond3A : i32
    scf.if %cond3A_5 {
      "tpu.region"() ({
        %run_scoped3A = tpu.sem_alloc : memref<!tpu.dma_semaphore, #tpu.memory_space<semaphore_mem>>
        tpu.enqueue_dma source(%arg3 : memref<8x128xf32, #tpu.memory_space<hbm>>) target(%arg8 : memref<8x128xf32, #tpu.memory_space<vmem_shared>>) target_semaphore(%run_scoped3A : memref<!tpu.dma_semaphore, #tpu.memory_space<semaphore_mem>>)
        tpu.wait_dma2 semaphore(%run_scoped3A : memref<!tpu.dma_semaphore, #tpu.memory_space<semaphore_mem>>) src(%arg3 : memref<8x128xf32, #tpu.memory_space<hbm>>) dst(%arg8 : memref<8x128xf32, #tpu.memory_space<vmem_shared>>)
        tpu.yield
      }) : () -> ()
    } else {
    }
    %dma_wait3A = tpu.memref_slice %arg2[%mul3A_2] : memref<16384xi32, #tpu.memory_space<hbm>> -> memref<512xi32, #tpu.memory_space<hbm>>
    %dma_wait3A_6 = tpu.memref_slice %arg2[%mul3A_2] : memref<16384xi32, #tpu.memory_space<hbm>> -> memref<512xi32, #tpu.memory_space<hbm>>
    tpu.wait_dma2 semaphore(%arg10 : memref<!tpu.dma_semaphore, #tpu.memory_space<semaphore_mem>>) src(%dma_wait3A_6 : memref<512xi32, #tpu.memory_space<hbm>>) dst(%arg6 : memref<512xi32, #tpu.memory_space<vmem>>)
    %dma_start3A_7 = tpu.memref_slice %arg5[%mul3A_2] : memref<16384xi32, #tpu.memory_space<hbm>> -> memref<512xi32, #tpu.memory_space<hbm>>
    %dma_start3A_8 = tpu.memref_slice %arg5[%mul3A_2] : memref<16384xi32, #tpu.memory_space<hbm>> -> memref<512xi32, #tpu.memory_space<hbm>>
    tpu.enqueue_dma source(%arg6 : memref<512xi32, #tpu.memory_space<vmem>>) target(%dma_start3A_8 : memref<512xi32, #tpu.memory_space<hbm>>) target_semaphore(%arg11 : memref<!tpu.dma_semaphore, #tpu.memory_space<semaphore_mem>>)
    %barrier3A = arith.constant 0 : index
    tpu.barrier barrier_id(%barrier3A)
    %dma_start3A_9 = arith.constant 0 : i32
    %dma_start3A_10 = arith.constant 0 : i32
    %dma_start3A_11 = arith.constant 0 : i32
    %dma_start3A_12 = tpu.memref_slice %arg7[%dma_start3A_9, %dma_start3A_10, %dma_start3A_11] : memref<3x128x128xf32, #tpu.memory_space<vmem>> -> memref<1x128x128xf32, #tpu.memory_space<vmem>>
    %dma_start3A_13 = tpu.memref_squeeze %dma_start3A_12 : memref<1x128x128xf32, #tpu.memory_space<vmem>> -> memref<128x128xf32, #tpu.memory_space<vmem>>
    %dma_start3A_14 = arith.constant 0 : i32
    %dma_start3A_15 = tpu.memref_slice %arg6[%dma_start3A_14] : memref<512xi32, #tpu.memory_space<vmem>> -> memref<128xi32, #tpu.memory_space<vmem>>
    %dma_start3A_16 = arith.constant 0 : i32
    %dma_start3A_17 = arith.constant 0 : i32
    %dma_start3A_18 = tpu.memref_slice %arg8[%dma_start3A_16, %dma_start3A_17] : memref<8x128xf32, #tpu.memory_space<vmem_shared>> -> memref<8x128xf32, #tpu.memory_space<vmem_shared>>
    tpu.enqueue_indirect_dma source(%dma_start3A_18 : memref<8x128xf32, #tpu.memory_space<vmem_shared>>) target(%dma_start3A_13 : memref<128x128xf32, #tpu.memory_space<vmem>>) offsets(%dma_start3A_15 : memref<128xi32, #tpu.memory_space<vmem>>) semaphore(%arg9 : memref<!tpu.dma_semaphore, #tpu.memory_space<semaphore_mem>>)
    %dma_start3A_19 = arith.constant 1 : i32
    %dma_start3A_20 = arith.constant 0 : i32
    %dma_start3A_21 = arith.constant 0 : i32
    %dma_start3A_22 = tpu.memref_slice %arg7[%dma_start3A_19, %dma_start3A_20, %dma_start3A_21] : memref<3x128x128xf32, #tpu.memory_space<vmem>> -> memref<1x128x128xf32, #tpu.memory_space<vmem>>
    %dma_start3A_23 = tpu.memref_squeeze %dma_start3A_22 : memref<1x128x128xf32, #tpu.memory_space<vmem>> -> memref<128x128xf32, #tpu.memory_space<vmem>>
    %dma_start3A_24 = arith.constant 128 : i32
    %dma_start3A_25 = tpu.memref_slice %arg6[%dma_start3A_24] : memref<512xi32, #tpu.memory_space<vmem>> -> memref<128xi32, #tpu.memory_space<vmem>>
    %dma_start3A_26 = arith.constant 0 : i32
    %dma_start3A_27 = arith.constant 0 : i32
    %dma_start3A_28 = tpu.memref_slice %arg8[%dma_start3A_26, %dma_start3A_27] : memref<8x128xf32, #tpu.memory_space<vmem_shared>> -> memref<8x128xf32, #tpu.memory_space<vmem_shared>>
    tpu.enqueue_indirect_dma source(%dma_start3A_28 : memref<8x128xf32, #tpu.memory_space<vmem_shared>>) target(%dma_start3A_23 : memref<128x128xf32, #tpu.memory_space<vmem>>) offsets(%dma_start3A_25 : memref<128xi32, #tpu.memory_space<vmem>>) semaphore(%arg9 : memref<!tpu.dma_semaphore, #tpu.memory_space<semaphore_mem>>)
    %dma_wait3A_29 = arith.constant 0 : i32
    %dma_wait3A_30 = arith.constant 0 : i32
    %dma_wait3A_31 = arith.constant 0 : i32
    %dma_wait3A_32 = tpu.memref_slice %arg7[%dma_wait3A_29, %dma_wait3A_30, %dma_wait3A_31] : memref<3x128x128xf32, #tpu.memory_space<vmem>> -> memref<1x128x128xf32, #tpu.memory_space<vmem>>
    %dma_wait3A_33 = tpu.memref_squeeze %dma_wait3A_32 : memref<1x128x128xf32, #tpu.memory_space<vmem>> -> memref<128x128xf32, #tpu.memory_space<vmem>>
    %dma_wait3A_34 = arith.constant 0 : i32
    %dma_wait3A_35 = tpu.memref_slice %arg6[%dma_wait3A_34] : memref<512xi32, #tpu.memory_space<vmem>> -> memref<128xi32, #tpu.memory_space<vmem>>
    %dma_wait3A_36 = arith.constant 0 : i32
    %dma_wait3A_37 = arith.constant 0 : i32
    %dma_wait3A_38 = tpu.memref_slice %arg8[%dma_wait3A_36, %dma_wait3A_37] : memref<8x128xf32, #tpu.memory_space<vmem_shared>> -> memref<8x128xf32, #tpu.memory_space<vmem_shared>>
    tpu.wait_indirect_dma semaphore(%arg9 : memref<!tpu.dma_semaphore, #tpu.memory_space<semaphore_mem>>) src(%dma_wait3A_38 : memref<8x128xf32, #tpu.memory_space<vmem_shared>>) dst(%dma_wait3A_33 : memref<128x128xf32, #tpu.memory_space<vmem>>)
    %dma_start3A_39 = arith.constant 2 : i32
    %dma_start3A_40 = arith.constant 0 : i32
    %dma_start3A_41 = arith.constant 0 : i32
    %dma_start3A_42 = tpu.memref_slice %arg7[%dma_start3A_39, %dma_start3A_40, %dma_start3A_41] : memref<3x128x128xf32, #tpu.memory_space<vmem>> -> memref<1x128x128xf32, #tpu.memory_space<vmem>>
    %dma_start3A_43 = tpu.memref_squeeze %dma_start3A_42 : memref<1x128x128xf32, #tpu.memory_space<vmem>> -> memref<128x128xf32, #tpu.memory_space<vmem>>
    %dma_start3A_44 = arith.constant 256 : i32
    %dma_start3A_45 = tpu.memref_slice %arg6[%dma_start3A_44] : memref<512xi32, #tpu.memory_space<vmem>> -> memref<128xi32, #tpu.memory_space<vmem>>
    %dma_start3A_46 = arith.constant 0 : i32
    %dma_start3A_47 = arith.constant 0 : i32
    %dma_start3A_48 = tpu.memref_slice %arg8[%dma_start3A_46, %dma_start3A_47] : memref<8x128xf32, #tpu.memory_space<vmem_shared>> -> memref<8x128xf32, #tpu.memory_space<vmem_shared>>
    tpu.enqueue_indirect_dma source(%dma_start3A_48 : memref<8x128xf32, #tpu.memory_space<vmem_shared>>) target(%dma_start3A_43 : memref<128x128xf32, #tpu.memory_space<vmem>>) offsets(%dma_start3A_45 : memref<128xi32, #tpu.memory_space<vmem>>) semaphore(%arg9 : memref<!tpu.dma_semaphore, #tpu.memory_space<semaphore_mem>>)
    %add3A_49 = arith.constant 0 : i32
    %add3A_50 = arith.addi %mul3A_2, %add3A_49 : i32
    %dma_start3A_51 = arith.constant 0 : i32
    %dma_start3A_52 = arith.constant 0 : i32
    %dma_start3A_53 = arith.constant 0 : i32
    %dma_start3A_54 = tpu.memref_slice %arg7[%dma_start3A_51, %dma_start3A_52, %dma_start3A_53] : memref<3x128x128xf32, #tpu.memory_space<vmem>> -> memref<1x128x128xf32, #tpu.memory_space<vmem>>
    %dma_start3A_55 = tpu.memref_squeeze %dma_start3A_54 : memref<1x128x128xf32, #tpu.memory_space<vmem>> -> memref<128x128xf32, #tpu.memory_space<vmem>>
    %dma_start3A_56 = arith.constant 0 : i32
    %dma_start3A_57 = tpu.memref_slice %arg4[%add3A_50, %dma_start3A_56] : memref<16384x128xf32, #tpu.memory_space<hbm>> -> memref<128x128xf32, #tpu.memory_space<hbm>>
    %dma_start3A_58 = arith.constant 0 : i32
    %dma_start3A_59 = tpu.memref_slice %arg4[%add3A_50, %dma_start3A_58] : memref<16384x128xf32, #tpu.memory_space<hbm>> -> memref<128x128xf32, #tpu.memory_space<hbm>>
    %dma_start3A_60 = arith.constant 0 : i32
    %dma_start3A_61 = arith.constant 0 : i32
    %dma_start3A_62 = tpu.memref_slice %arg7[%dma_start3A_51, %dma_start3A_60, %dma_start3A_61] : memref<3x128x128xf32, #tpu.memory_space<vmem>> -> memref<1x128x128xf32, #tpu.memory_space<vmem>>
    %dma_start3A_63 = tpu.memref_squeeze %dma_start3A_62 : memref<1x128x128xf32, #tpu.memory_space<vmem>> -> memref<128x128xf32, #tpu.memory_space<vmem>>
    tpu.enqueue_dma source(%dma_start3A_63 : memref<128x128xf32, #tpu.memory_space<vmem>>) target(%dma_start3A_59 : memref<128x128xf32, #tpu.memory_space<hbm>>) target_semaphore(%arg10 : memref<!tpu.dma_semaphore, #tpu.memory_space<semaphore_mem>>)
    %dma_wait3A_64 = arith.constant 1 : i32
    %dma_wait3A_65 = arith.constant 0 : i32
    %dma_wait3A_66 = arith.constant 0 : i32
    %dma_wait3A_67 = tpu.memref_slice %arg7[%dma_wait3A_64, %dma_wait3A_65, %dma_wait3A_66] : memref<3x128x128xf32, #tpu.memory_space<vmem>> -> memref<1x128x128xf32, #tpu.memory_space<vmem>>
    %dma_wait3A_68 = tpu.memref_squeeze %dma_wait3A_67 : memref<1x128x128xf32, #tpu.memory_space<vmem>> -> memref<128x128xf32, #tpu.memory_space<vmem>>
    %dma_wait3A_69 = arith.constant 128 : i32
    %dma_wait3A_70 = tpu.memref_slice %arg6[%dma_wait3A_69] : memref<512xi32, #tpu.memory_space<vmem>> -> memref<128xi32, #tpu.memory_space<vmem>>
    %dma_wait3A_71 = arith.constant 0 : i32
    %dma_wait3A_72 = arith.constant 0 : i32
    %dma_wait3A_73 = tpu.memref_slice %arg8[%dma_wait3A_71, %dma_wait3A_72] : memref<8x128xf32, #tpu.memory_space<vmem_shared>> -> memref<8x128xf32, #tpu.memory_space<vmem_shared>>
    tpu.wait_indirect_dma semaphore(%arg9 : memref<!tpu.dma_semaphore, #tpu.memory_space<semaphore_mem>>) src(%dma_wait3A_73 : memref<8x128xf32, #tpu.memory_space<vmem_shared>>) dst(%dma_wait3A_68 : memref<128x128xf32, #tpu.memory_space<vmem>>)
    %dma_start3A_74 = arith.constant 0 : i32
    %dma_start3A_75 = arith.constant 0 : i32
    %dma_start3A_76 = arith.constant 0 : i32
    %dma_start3A_77 = tpu.memref_slice %arg7[%dma_start3A_74, %dma_start3A_75, %dma_start3A_76] : memref<3x128x128xf32, #tpu.memory_space<vmem>> -> memref<1x128x128xf32, #tpu.memory_space<vmem>>
    %dma_start3A_78 = tpu.memref_squeeze %dma_start3A_77 : memref<1x128x128xf32, #tpu.memory_space<vmem>> -> memref<128x128xf32, #tpu.memory_space<vmem>>
    %dma_start3A_79 = arith.constant 384 : i32
    %dma_start3A_80 = tpu.memref_slice %arg6[%dma_start3A_79] : memref<512xi32, #tpu.memory_space<vmem>> -> memref<128xi32, #tpu.memory_space<vmem>>
    %dma_start3A_81 = arith.constant 0 : i32
    %dma_start3A_82 = arith.constant 0 : i32
    %dma_start3A_83 = tpu.memref_slice %arg8[%dma_start3A_81, %dma_start3A_82] : memref<8x128xf32, #tpu.memory_space<vmem_shared>> -> memref<8x128xf32, #tpu.memory_space<vmem_shared>>
    tpu.enqueue_indirect_dma source(%dma_start3A_83 : memref<8x128xf32, #tpu.memory_space<vmem_shared>>) target(%dma_start3A_78 : memref<128x128xf32, #tpu.memory_space<vmem>>) offsets(%dma_start3A_80 : memref<128xi32, #tpu.memory_space<vmem>>) semaphore(%arg9 : memref<!tpu.dma_semaphore, #tpu.memory_space<semaphore_mem>>)
    %add3A_84 = arith.constant 128 : i32
    %add3A_85 = arith.addi %mul3A_2, %add3A_84 : i32
    %dma_start3A_86 = arith.constant 1 : i32
    %dma_start3A_87 = arith.constant 0 : i32
    %dma_start3A_88 = arith.constant 0 : i32
    %dma_start3A_89 = tpu.memref_slice %arg7[%dma_start3A_86, %dma_start3A_87, %dma_start3A_88] : memref<3x128x128xf32, #tpu.memory_space<vmem>> -> memref<1x128x128xf32, #tpu.memory_space<vmem>>
    %dma_start3A_90 = tpu.memref_squeeze %dma_start3A_89 : memref<1x128x128xf32, #tpu.memory_space<vmem>> -> memref<128x128xf32, #tpu.memory_space<vmem>>
    %dma_start3A_91 = arith.constant 0 : i32
    %dma_start3A_92 = tpu.memref_slice %arg4[%add3A_85, %dma_start3A_91] : memref<16384x128xf32, #tpu.memory_space<hbm>> -> memref<128x128xf32, #tpu.memory_space<hbm>>
    %dma_start3A_93 = arith.constant 0 : i32
    %dma_start3A_94 = tpu.memref_slice %arg4[%add3A_85, %dma_start3A_93] : memref<16384x128xf32, #tpu.memory_space<hbm>> -> memref<128x128xf32, #tpu.memory_space<hbm>>
    %dma_start3A_95 = arith.constant 0 : i32
    %dma_start3A_96 = arith.constant 0 : i32
    %dma_start3A_97 = tpu.memref_slice %arg7[%dma_start3A_86, %dma_start3A_95, %dma_start3A_96] : memref<3x128x128xf32, #tpu.memory_space<vmem>> -> memref<1x128x128xf32, #tpu.memory_space<vmem>>
    %dma_start3A_98 = tpu.memref_squeeze %dma_start3A_97 : memref<1x128x128xf32, #tpu.memory_space<vmem>> -> memref<128x128xf32, #tpu.memory_space<vmem>>
    tpu.enqueue_dma source(%dma_start3A_98 : memref<128x128xf32, #tpu.memory_space<vmem>>) target(%dma_start3A_94 : memref<128x128xf32, #tpu.memory_space<hbm>>) target_semaphore(%arg10 : memref<!tpu.dma_semaphore, #tpu.memory_space<semaphore_mem>>)
    %dma_wait3A_99 = arith.constant 2 : i32
    %dma_wait3A_100 = arith.constant 0 : i32
    %dma_wait3A_101 = arith.constant 0 : i32
    %dma_wait3A_102 = tpu.memref_slice %arg7[%dma_wait3A_99, %dma_wait3A_100, %dma_wait3A_101] : memref<3x128x128xf32, #tpu.memory_space<vmem>> -> memref<1x128x128xf32, #tpu.memory_space<vmem>>
    %dma_wait3A_103 = tpu.memref_squeeze %dma_wait3A_102 : memref<1x128x128xf32, #tpu.memory_space<vmem>> -> memref<128x128xf32, #tpu.memory_space<vmem>>
    %dma_wait3A_104 = arith.constant 256 : i32
    %dma_wait3A_105 = tpu.memref_slice %arg6[%dma_wait3A_104] : memref<512xi32, #tpu.memory_space<vmem>> -> memref<128xi32, #tpu.memory_space<vmem>>
    %dma_wait3A_106 = arith.constant 0 : i32
    %dma_wait3A_107 = arith.constant 0 : i32
    %dma_wait3A_108 = tpu.memref_slice %arg8[%dma_wait3A_106, %dma_wait3A_107] : memref<8x128xf32, #tpu.memory_space<vmem_shared>> -> memref<8x128xf32, #tpu.memory_space<vmem_shared>>
    tpu.wait_indirect_dma semaphore(%arg9 : memref<!tpu.dma_semaphore, #tpu.memory_space<semaphore_mem>>) src(%dma_wait3A_108 : memref<8x128xf32, #tpu.memory_space<vmem_shared>>) dst(%dma_wait3A_103 : memref<128x128xf32, #tpu.memory_space<vmem>>)
    %dma_wait3A_109 = arith.constant 0 : i32
    %dma_wait3A_110 = arith.constant 0 : i32
    %dma_wait3A_111 = arith.constant 0 : i32
    %dma_wait3A_112 = tpu.memref_slice %arg7[%dma_wait3A_109, %dma_wait3A_110, %dma_wait3A_111] : memref<3x128x128xf32, #tpu.memory_space<vmem>> -> memref<1x128x128xf32, #tpu.memory_space<vmem>>
    %dma_wait3A_113 = tpu.memref_squeeze %dma_wait3A_112 : memref<1x128x128xf32, #tpu.memory_space<vmem>> -> memref<128x128xf32, #tpu.memory_space<vmem>>
    %dma_wait3A_114 = arith.constant 0 : i32
    %dma_wait3A_115 = tpu.memref_slice %arg4[%add3A_50, %dma_wait3A_114] : memref<16384x128xf32, #tpu.memory_space<hbm>> -> memref<128x128xf32, #tpu.memory_space<hbm>>
    %dma_wait3A_116 = arith.constant 0 : i32
    %dma_wait3A_117 = tpu.memref_slice %arg4[%add3A_50, %dma_wait3A_116] : memref<16384x128xf32, #tpu.memory_space<hbm>> -> memref<128x128xf32, #tpu.memory_space<hbm>>
    %dma_wait3A_118 = arith.constant 0 : i32
    %dma_wait3A_119 = arith.constant 0 : i32
    %dma_wait3A_120 = tpu.memref_slice %arg7[%dma_wait3A_109, %dma_wait3A_118, %dma_wait3A_119] : memref<3x128x128xf32, #tpu.memory_space<vmem>> -> memref<1x128x128xf32, #tpu.memory_space<vmem>>
    %dma_wait3A_121 = tpu.memref_squeeze %dma_wait3A_120 : memref<1x128x128xf32, #tpu.memory_space<vmem>> -> memref<128x128xf32, #tpu.memory_space<vmem>>
    tpu.wait_dma2 semaphore(%arg10 : memref<!tpu.dma_semaphore, #tpu.memory_space<semaphore_mem>>) src(%dma_wait3A_121 : memref<128x128xf32, #tpu.memory_space<vmem>>) dst(%dma_wait3A_117 : memref<128x128xf32, #tpu.memory_space<hbm>>)
    %add3A_122 = arith.constant 256 : i32
    %add3A_123 = arith.addi %mul3A_2, %add3A_122 : i32
    %dma_start3A_124 = arith.constant 2 : i32
    %dma_start3A_125 = arith.constant 0 : i32
    %dma_start3A_126 = arith.constant 0 : i32
    %dma_start3A_127 = tpu.memref_slice %arg7[%dma_start3A_124, %dma_start3A_125, %dma_start3A_126] : memref<3x128x128xf32, #tpu.memory_space<vmem>> -> memref<1x128x128xf32, #tpu.memory_space<vmem>>
    %dma_start3A_128 = tpu.memref_squeeze %dma_start3A_127 : memref<1x128x128xf32, #tpu.memory_space<vmem>> -> memref<128x128xf32, #tpu.memory_space<vmem>>
    %dma_start3A_129 = arith.constant 0 : i32
    %dma_start3A_130 = tpu.memref_slice %arg4[%add3A_123, %dma_start3A_129] : memref<16384x128xf32, #tpu.memory_space<hbm>> -> memref<128x128xf32, #tpu.memory_space<hbm>>
    %dma_start3A_131 = arith.constant 0 : i32
    %dma_start3A_132 = tpu.memref_slice %arg4[%add3A_123, %dma_start3A_131] : memref<16384x128xf32, #tpu.memory_space<hbm>> -> memref<128x128xf32, #tpu.memory_space<hbm>>
    %dma_start3A_133 = arith.constant 0 : i32
    %dma_start3A_134 = arith.constant 0 : i32
    %dma_start3A_135 = tpu.memref_slice %arg7[%dma_start3A_124, %dma_start3A_133, %dma_start3A_134] : memref<3x128x128xf32, #tpu.memory_space<vmem>> -> memref<1x128x128xf32, #tpu.memory_space<vmem>>
    %dma_start3A_136 = tpu.memref_squeeze %dma_start3A_135 : memref<1x128x128xf32, #tpu.memory_space<vmem>> -> memref<128x128xf32, #tpu.memory_space<vmem>>
    tpu.enqueue_dma source(%dma_start3A_136 : memref<128x128xf32, #tpu.memory_space<vmem>>) target(%dma_start3A_132 : memref<128x128xf32, #tpu.memory_space<hbm>>) target_semaphore(%arg10 : memref<!tpu.dma_semaphore, #tpu.memory_space<semaphore_mem>>)
    %dma_wait3A_137 = arith.constant 0 : i32
    %dma_wait3A_138 = arith.constant 0 : i32
    %dma_wait3A_139 = arith.constant 0 : i32
    %dma_wait3A_140 = tpu.memref_slice %arg7[%dma_wait3A_137, %dma_wait3A_138, %dma_wait3A_139] : memref<3x128x128xf32, #tpu.memory_space<vmem>> -> memref<1x128x128xf32, #tpu.memory_space<vmem>>
    %dma_wait3A_141 = tpu.memref_squeeze %dma_wait3A_140 : memref<1x128x128xf32, #tpu.memory_space<vmem>> -> memref<128x128xf32, #tpu.memory_space<vmem>>
    %dma_wait3A_142 = arith.constant 384 : i32
    %dma_wait3A_143 = tpu.memref_slice %arg6[%dma_wait3A_142] : memref<512xi32, #tpu.memory_space<vmem>> -> memref<128xi32, #tpu.memory_space<vmem>>
    %dma_wait3A_144 = arith.constant 0 : i32
    %dma_wait3A_145 = arith.constant 0 : i32
    %dma_wait3A_146 = tpu.memref_slice %arg8[%dma_wait3A_144, %dma_wait3A_145] : memref<8x128xf32, #tpu.memory_space<vmem_shared>> -> memref<8x128xf32, #tpu.memory_space<vmem_shared>>
    tpu.wait_indirect_dma semaphore(%arg9 : memref<!tpu.dma_semaphore, #tpu.memory_space<semaphore_mem>>) src(%dma_wait3A_146 : memref<8x128xf32, #tpu.memory_space<vmem_shared>>) dst(%dma_wait3A_141 : memref<128x128xf32, #tpu.memory_space<vmem>>)
    %dma_wait3A_147 = arith.constant 1 : i32
    %dma_wait3A_148 = arith.constant 0 : i32
    %dma_wait3A_149 = arith.constant 0 : i32
    %dma_wait3A_150 = tpu.memref_slice %arg7[%dma_wait3A_147, %dma_wait3A_148, %dma_wait3A_149] : memref<3x128x128xf32, #tpu.memory_space<vmem>> -> memref<1x128x128xf32, #tpu.memory_space<vmem>>
    %dma_wait3A_151 = tpu.memref_squeeze %dma_wait3A_150 : memref<1x128x128xf32, #tpu.memory_space<vmem>> -> memref<128x128xf32, #tpu.memory_space<vmem>>
    %dma_wait3A_152 = arith.constant 0 : i32
    %dma_wait3A_153 = tpu.memref_slice %arg4[%add3A_85, %dma_wait3A_152] : memref<16384x128xf32, #tpu.memory_space<hbm>> -> memref<128x128xf32, #tpu.memory_space<hbm>>
    %dma_wait3A_154 = arith.constant 0 : i32
    %dma_wait3A_155 = tpu.memref_slice %arg4[%add3A_85, %dma_wait3A_154] : memref<16384x128xf32, #tpu.memory_space<hbm>> -> memref<128x128xf32, #tpu.memory_space<hbm>>
    %dma_wait3A_156 = arith.constant 0 : i32
    %dma_wait3A_157 = arith.constant 0 : i32
    %dma_wait3A_158 = tpu.memref_slice %arg7[%dma_wait3A_147, %dma_wait3A_156, %dma_wait3A_157] : memref<3x128x128xf32, #tpu.memory_space<vmem>> -> memref<1x128x128xf32, #tpu.memory_space<vmem>>
    %dma_wait3A_159 = tpu.memref_squeeze %dma_wait3A_158 : memref<1x128x128xf32, #tpu.memory_space<vmem>> -> memref<128x128xf32, #tpu.memory_space<vmem>>
    tpu.wait_dma2 semaphore(%arg10 : memref<!tpu.dma_semaphore, #tpu.memory_space<semaphore_mem>>) src(%dma_wait3A_159 : memref<128x128xf32, #tpu.memory_space<vmem>>) dst(%dma_wait3A_155 : memref<128x128xf32, #tpu.memory_space<hbm>>)
    %add3A_160 = arith.constant 384 : i32
    %add3A_161 = arith.addi %mul3A_2, %add3A_160 : i32
    %dma_start3A_162 = arith.constant 0 : i32
    %dma_start3A_163 = arith.constant 0 : i32
    %dma_start3A_164 = arith.constant 0 : i32
    %dma_start3A_165 = tpu.memref_slice %arg7[%dma_start3A_162, %dma_start3A_163, %dma_start3A_164] : memref<3x128x128xf32, #tpu.memory_space<vmem>> -> memref<1x128x128xf32, #tpu.memory_space<vmem>>
    %dma_start3A_166 = tpu.memref_squeeze %dma_start3A_165 : memref<1x128x128xf32, #tpu.memory_space<vmem>> -> memref<128x128xf32, #tpu.memory_space<vmem>>
    %dma_start3A_167 = arith.constant 0 : i32
    %dma_start3A_168 = tpu.memref_slice %arg4[%add3A_161, %dma_start3A_167] : memref<16384x128xf32, #tpu.memory_space<hbm>> -> memref<128x128xf32, #tpu.memory_space<hbm>>
    %dma_start3A_169 = arith.constant 0 : i32
    %dma_start3A_170 = tpu.memref_slice %arg4[%add3A_161, %dma_start3A_169] : memref<16384x128xf32, #tpu.memory_space<hbm>> -> memref<128x128xf32, #tpu.memory_space<hbm>>
    %dma_start3A_171 = arith.constant 0 : i32
    %dma_start3A_172 = arith.constant 0 : i32
    %dma_start3A_173 = tpu.memref_slice %arg7[%dma_start3A_162, %dma_start3A_171, %dma_start3A_172] : memref<3x128x128xf32, #tpu.memory_space<vmem>> -> memref<1x128x128xf32, #tpu.memory_space<vmem>>
    %dma_start3A_174 = tpu.memref_squeeze %dma_start3A_173 : memref<1x128x128xf32, #tpu.memory_space<vmem>> -> memref<128x128xf32, #tpu.memory_space<vmem>>
    tpu.enqueue_dma source(%dma_start3A_174 : memref<128x128xf32, #tpu.memory_space<vmem>>) target(%dma_start3A_170 : memref<128x128xf32, #tpu.memory_space<hbm>>) target_semaphore(%arg10 : memref<!tpu.dma_semaphore, #tpu.memory_space<semaphore_mem>>)
    %dma_wait3A_175 = arith.constant 2 : i32
    %dma_wait3A_176 = arith.constant 0 : i32
    %dma_wait3A_177 = arith.constant 0 : i32
    %dma_wait3A_178 = tpu.memref_slice %arg7[%dma_wait3A_175, %dma_wait3A_176, %dma_wait3A_177] : memref<3x128x128xf32, #tpu.memory_space<vmem>> -> memref<1x128x128xf32, #tpu.memory_space<vmem>>
    %dma_wait3A_179 = tpu.memref_squeeze %dma_wait3A_178 : memref<1x128x128xf32, #tpu.memory_space<vmem>> -> memref<128x128xf32, #tpu.memory_space<vmem>>
    %dma_wait3A_180 = arith.constant 0 : i32
    %dma_wait3A_181 = tpu.memref_slice %arg4[%add3A_123, %dma_wait3A_180] : memref<16384x128xf32, #tpu.memory_space<hbm>> -> memref<128x128xf32, #tpu.memory_space<hbm>>
    %dma_wait3A_182 = arith.constant 0 : i32
    %dma_wait3A_183 = tpu.memref_slice %arg4[%add3A_123, %dma_wait3A_182] : memref<16384x128xf32, #tpu.memory_space<hbm>> -> memref<128x128xf32, #tpu.memory_space<hbm>>
    %dma_wait3A_184 = arith.constant 0 : i32
    %dma_wait3A_185 = arith.constant 0 : i32
    %dma_wait3A_186 = tpu.memref_slice %arg7[%dma_wait3A_175, %dma_wait3A_184, %dma_wait3A_185] : memref<3x128x128xf32, #tpu.memory_space<vmem>> -> memref<1x128x128xf32, #tpu.memory_space<vmem>>
    %dma_wait3A_187 = tpu.memref_squeeze %dma_wait3A_186 : memref<1x128x128xf32, #tpu.memory_space<vmem>> -> memref<128x128xf32, #tpu.memory_space<vmem>>
    tpu.wait_dma2 semaphore(%arg10 : memref<!tpu.dma_semaphore, #tpu.memory_space<semaphore_mem>>) src(%dma_wait3A_187 : memref<128x128xf32, #tpu.memory_space<vmem>>) dst(%dma_wait3A_183 : memref<128x128xf32, #tpu.memory_space<hbm>>)
    %dma_wait3A_188 = arith.constant 0 : i32
    %dma_wait3A_189 = arith.constant 0 : i32
    %dma_wait3A_190 = arith.constant 0 : i32
    %dma_wait3A_191 = tpu.memref_slice %arg7[%dma_wait3A_188, %dma_wait3A_189, %dma_wait3A_190] : memref<3x128x128xf32, #tpu.memory_space<vmem>> -> memref<1x128x128xf32, #tpu.memory_space<vmem>>
    %dma_wait3A_192 = tpu.memref_squeeze %dma_wait3A_191 : memref<1x128x128xf32, #tpu.memory_space<vmem>> -> memref<128x128xf32, #tpu.memory_space<vmem>>
    %dma_wait3A_193 = arith.constant 0 : i32
    %dma_wait3A_194 = tpu.memref_slice %arg4[%add3A_161, %dma_wait3A_193] : memref<16384x128xf32, #tpu.memory_space<hbm>> -> memref<128x128xf32, #tpu.memory_space<hbm>>
    %dma_wait3A_195 = arith.constant 0 : i32
    %dma_wait3A_196 = tpu.memref_slice %arg4[%add3A_161, %dma_wait3A_195] : memref<16384x128xf32, #tpu.memory_space<hbm>> -> memref<128x128xf32, #tpu.memory_space<hbm>>
    %dma_wait3A_197 = arith.constant 0 : i32
    %dma_wait3A_198 = arith.constant 0 : i32
    %dma_wait3A_199 = tpu.memref_slice %arg7[%dma_wait3A_188, %dma_wait3A_197, %dma_wait3A_198] : memref<3x128x128xf32, #tpu.memory_space<vmem>> -> memref<1x128x128xf32, #tpu.memory_space<vmem>>
    %dma_wait3A_200 = tpu.memref_squeeze %dma_wait3A_199 : memref<1x128x128xf32, #tpu.memory_space<vmem>> -> memref<128x128xf32, #tpu.memory_space<vmem>>
    tpu.wait_dma2 semaphore(%arg10 : memref<!tpu.dma_semaphore, #tpu.memory_space<semaphore_mem>>) src(%dma_wait3A_200 : memref<128x128xf32, #tpu.memory_space<vmem>>) dst(%dma_wait3A_196 : memref<128x128xf32, #tpu.memory_space<hbm>>)
    %dma_wait3A_201 = tpu.memref_slice %arg5[%mul3A_2] : memref<16384xi32, #tpu.memory_space<hbm>> -> memref<512xi32, #tpu.memory_space<hbm>>
    %dma_wait3A_202 = tpu.memref_slice %arg5[%mul3A_2] : memref<16384xi32, #tpu.memory_space<hbm>> -> memref<512xi32, #tpu.memory_space<hbm>>
    tpu.wait_dma2 semaphore(%arg11 : memref<!tpu.dma_semaphore, #tpu.memory_space<semaphore_mem>>) src(%arg6 : memref<512xi32, #tpu.memory_space<vmem>>) dst(%dma_wait3A_202 : memref<512xi32, #tpu.memory_space<hbm>>)
    return
  }
}

</mosaic_0001>

<sc_bundles>
// kernel: kernel.3.cloned.1.call-start
scs
__scs_entry_jumppad:
0x0: {  	(pc) =	sbr.rel $0x88, $3  }
0x1: {  	(tag) =	ssettag $0x0;
	lr =	simm.s32 $0x1  }
0x2: {  	[smem:$0x3F9F] =	sst lr;
	_ =	strace $0xD0000000  }
0x3: {  	_ = 	snop  }
0x4: {  	_ = 	snop  }
0x5: {  	_ = 	snop  }
0x6: {  	_ = 	snop  }
0x7: {  	_ = 	snop  }
__scs_overlays_trampoline_lowered:
0x8: {  	[smem:$0x3FAE] =	sst s0  }
0x9: {  	[smem:$0x3FAF] =	sst s1  }
0xa: {  	[smem:$0x3FB0] =	sst s2  }
0xb: {  	[smem:$0x3FB1] =	sst s3  }
0xc: {  	[smem:$0x3FB2] =	sst s4  }
0xd: {  	[smem:$0x3FB3] =	sst s5  }
0xe: {  	[smem:$0x3FB4] =	sst s6  }
0xf: {  	[smem:$0x3FB5] =	sst s7  }
0x10: {  	[smem:$0x3FB6] =	sst s8  }
0x11: {  	[smem:$0x3FB7] =	sst s9;
	s0 =	simm.s32 @!p0 $0x0  }
0x12: {  	s1 =	sld [smem:$0x3F9D];
	s0 =	simm.s32 @p0 $0x1  }
0x13: {  	[smem:$0x3FB8] =	sst s0;
	s0 =	simm.s32 @!p1 $0x0  }
0x14: {  	s2 =	sld [smem:$0x3F9C];
	s0 =	simm.s32 @p1 $0x1  }
0x15: {  	[smem:$0x3FB9] =	sst s0;
	s0 =	simm.s32 @!p2 $0x0  }
0x16: {  	s3 =	sld [smem:$0x3FDB];
	s0 =	simm.s32 @p2 $0x1  }
0x17: {  	s4 =	simm.s32 $0x1BF5;
	[smem:$0x3FBB] =	sst s0  }
0x18: {  	s0 =	sld [smem:$0x3F9E];
	_ =	swait.ge [sflag:s4], $0x0  }
0x19: {  	s7 =	sld [smem:$0x3F9F]  }
0x1a: {  	s8 =	sadd.s32 $0xFFFFE003, lr  }
0x1b: {  	s9 =	sadd.s32 $0xFFFFFEF7, lr;
	s5 =	simm.s32 $0xFFFFFFFF;
	p2 =	slt.u32 s8, $0xFFFFF086  }
0x1c: {  	p1 =	slt.u32 s9, $0xF7A;
	s5 =	simm.s32 @!p2 $0x0  }
0x1d: {  	s5 =	simm.s32 @p1 $0x1;
	p0 =	seq.s32 s7, s2  }
0x1e: {  	s7 =	smul.u32 @!p0 $0xF7A, s2;
	p2 =	seq.s32 @!p0 s5, $0x0  }
0x1f: {  	s9 =	smul.u32 $0xF7A, s1;
	s8 =	simm.s32 @!p0 $0x1BF5;
	p2 =	por !p2, p0  }
0x20: {  	[sflag:s8] =	ssyncset.s32 @!p0 $0xFFFFF086;
	s6 =	sadd.s32 @!p0 s3, s7;
	s7 =	simm.s32 @!p0 $0x108  }
0x21: {  	s3 =	sadd.s32 s3, s9;
	s6 =	sadd.s32 @!p0 $0x88, s6;
	s7 =	simm.s32 @p2 $0x1082  }
0x22: {  	[simem:s7], [sflag:s8] =	dma.local @!p0 [hbm:s6], $0xF7A  }
0x23: {  	s9 =	sor.u32 $0xD0000000, s2;
	s6 =	simm.s32 $0x108;
	_ =	swait.ge @!p0 [sflag:s8], $0x0  }
0x24: {  	s3 =	sadd.s32 $0x88, s3;
	s6 =	simm.s32 @!p1 $0x1082;
	[sflag:s4] =	ssyncset.s32 $0xFFFFF086  }
0x25: {  	[simem:s6], [sflag:s4] =	dma.local [hbm:s3], $0xF7A  }
0x26: {  	[smem:$0x3F9F] =	sst s1;
	(tag) =	ssettag s2;
	_ =	strace s9  }
0x27: {  	s1 =	sld [smem:$0x3FAF]  }
0x28: {  	s2 =	sld [smem:$0x3FB0]  }
0x29: {  	s4 =	sld [smem:$0x3FB2]  }
0x2a: {  	p0 =	seq.s32 s5, $0x0;
	s5 =	sld [smem:$0x3FB3]  }
0x2b: {  	s6 =	sld [smem:$0x3FB4]  }
0x2c: {  	s7 =	sld [smem:$0x3FB5]  }
0x2d: {  	s3 =	simm.s32 $0x108;
	s8 =	sld [smem:$0x3FB6]  }
0x2e: {  	s3 =	simm.s32 @!p0 $0x1082;
	s9 =	sld [smem:$0x3FB7]  }
0x2f: {  	lr =	sadd.s32 s0, s3;
	s0 =	sld [smem:$0x3FAE]  }
0x30: {  	s3 =	sld [smem:$0x3FB1]  }
0x31: {  	[smem:$0x3FBA] =	sst s10  }
0x32: {  	s10 =	sld [smem:$0x3FB8];
	_ =	sdelay $0x3  }
0x33: {  	p0 =	seq.s32 s10, $0x1;
	s10 =	sld [smem:$0x3FBA];
	_ =	sdelay $0x3  }
0x34: {  	[smem:$0x3FBA] =	sst s10  }
0x35: {  	s10 =	sld [smem:$0x3FB9];
	_ =	sdelay $0x3  }
0x36: {  	p1 =	seq.s32 s10, $0x1;
	s10 =	sld [smem:$0x3FBA];
	_ =	sdelay $0x3  }
0x37: {  	[smem:$0x3FBA] =	sst s10  }
0x38: {  	s10 =	sld [smem:$0x3FBB]  }
0x39: {  	_ = 	snop;
	(pc) =	sbr.ind lr, $3  }
0x3a: {  	_ = 	snop  }
0x3b: {  	_ = 	snop  }
0x3c: {  	p2 =	seq.s32 s10, $0x1;
	s10 =	sld [smem:$0x3FBA]  }
0x3d: {  	_ =	shalt  }
0x3e: {  	_ =	shalt  }
0x3f: {  	_ =	shalt  }
0x40: {  	_ =	shalt  }
0x41: {  	_ =	shalt  }
0x42: {  	_ =	shalt  }
0x43: {  	_ =	shalt  }
0x44: {  	_ =	shalt  }
0x45: {  	_ =	shalt  }
0x46: {  	_ =	shalt  }
0x47: {  	_ =	shalt  }
0x48: {  	_ =	shalt  }
0x49: {  	_ =	shalt  }
0x4a: {  	_ =	shalt  }
0x4b: {  	_ =	shalt  }
0x4c: {  	_ =	shalt  }
0x4d: {  	_ =	shalt  }
0x4e: {  	_ =	shalt  }
0x4f: {  	_ =	shalt  }
0x50: {  	_ =	shalt  }
0x51: {  	_ =	shalt  }
0x52: {  	_ =	shalt  }
0x53: {  	_ =	shalt  }
0x54: {  	_ =	shalt  }
0x55: {  	_ =	shalt  }
0x56: {  	_ =	shalt  }
0x57: {  	_ =	shalt  }
0x58: {  	_ =	shalt  }
0x59: {  	_ =	shalt  }
0x5a: {  	_ =	shalt  }
0x5b: {  	_ =	shalt  }
0x5c: {  	_ =	shalt  }
0x5d: {  	_ =	shalt  }
0x5e: {  	_ =	shalt  }
0x5f: {  	_ =	shalt  }
0x60: {  	_ =	shalt  }
0x61: {  	_ =	shalt  }
0x62: {  	_ =	shalt  }
0x63: {  	_ =	shalt  }
0x64: {  	_ =	shalt  }
0x65: {  	_ =	shalt  }
0x66: {  	_ =	shalt  }
0x67: {  	_ =	shalt  }
0x68: {  	_ =	shalt  }
0x69: {  	_ =	shalt  }
0x6a: {  	_ =	shalt  }
0x6b: {  	_ =	shalt  }
0x6c: {  	_ =	shalt  }
0x6d: {  	_ =	shalt  }
0x6e: {  	_ =	shalt  }
0x6f: {  	_ =	shalt  }
0x70: {  	_ =	shalt  }
0x71: {  	_ =	shalt  }
0x72: {  	_ =	shalt  }
0x73: {  	_ =	shalt  }
0x74: {  	_ =	shalt  }
0x75: {  	_ =	shalt  }
0x76: {  	_ =	shalt  }
0x77: {  	_ =	shalt  }
0x78: {  	_ =	shalt  }
0x79: {  	_ =	shalt  }
0x7a: {  	_ =	shalt  }
0x7b: {  	_ =	shalt  }
0x7c: {  	_ =	shalt  }
0x7d: {  	_ =	shalt  }
0x7e: {  	_ =	shalt  }
0x7f: {  	_ =	shalt  }
0x80: {  	_ =	shalt  }
0x81: {  	_ =	shalt  }
0x82: {  	_ =	shalt  }
0x83: {  	_ =	shalt  }
0x84: {  	_ =	shalt  }
0x85: {  	_ =	shalt  }
0x86: {  	_ =	shalt  }
0x87: {  	_ =	shalt  }
.Lfunc_end0:
.L_simem_size_0:
called_computation_lowered:
.L_overlay_start_0:
0x88: {  	s2 =	sld [smem:$0x3FD9]  }
0x89: {  	s3 =	sld [smem:$0x3FFE];
	_ =	sdelay $0x1  }
0x8a: {  	s1 =	srdreg.scid  }
0x8b: {  	s0 =	sand.u32 $0x1, s1  }
0x8c: {  	s15 =	sshll.u32 s0, $0xA;
	s2 =	sadd.s32 s3, s2  }
0x8d: {  	s2 =	sadd.s32 s2, s15  }
0x8e: {  	[smem:$0x3FC6] =	sst s2  }
0x8f: {  	_ = 	snop  }
0x90: {  	s2 =	sld [smem:$0x3FD0];
	_ =	sdelay $0x1  }
0x91: {  	s16 =	sld [smem:$0x3FC9]  }
0x92: {  	s5 =	simm.s32 $0xA;
	s6 =	simm.s32 $0x10;
	s4 =	sld [smem:$0x3FC8]  }
0x93: {  	[smem:s6], [sflag:s5] =	dma.local [hbm:s2], $0x1  }
0x94: {  	_ =	swait.eq [sflag:s5], $0x1  }
0x95: {  	[sflag:s5] =	ssyncset.done $0x0  }
0x96: {  	s17 =	sld [smem:$0x10];
	[sflag:s5] =	ssyncadd.s32 $0xFFFFFFFF  }
0x97: {  	s18 =	sld [smem:$0x12];
	(tm) =	ssettm $0x1  }
0x98: {  	s19 =	sld [smem:$0x3FFB];
	_ =	sdelay $0x3  }
0x99: {  	_ =	strace s19  }
0x9a: {  	s6 =	sld [smem:$0x3FFC];
	_ =	sdelay $0x3  }
0x9b: {  	_ =	strace s6  }
0x9c: {  	s6 =	sld [smem:$0x3FFD];
	_ =	sdelay $0x3  }
0x9d: {  	_ =	strace s6  }
0x9e: {  	_ =	strace $0x8FFFFFFF  }
0x9f: {  	s20 =	sld [smem:$0x3FDB];
	_ =	sdelay $0x1  }
0xa0: {  	s7 =	simm.s32 $_scs_section_size  }
0xa1: {  	s8 =	simm.s32 $_size__tile_overlayer_lowered;
	s9 =	simm.s32 $_tile_overlayer_lowered  }
0xa2: {  	s23 =	simm.s32 $0x1BFF;
	s22 =	sshll.u32 s9, $0x1;
	s6 =	sadd.s32 s7, s20  }
0xa3: {  	s10 =	simm.s32 $0x0;
	s21 =	sshll.u32 s8, $0x1;
	s8 =	sadd.s32 s22, s6  }
0xa4: {  	[timem:s10], [sflag:s23] =	dma.local [hbm:s8], s21  }
0xa5: {  	_ =	swait.ge [sflag:s23], s21  }
0xa6: {  	s7 =	ssub.s32 $0x0, s21;
	[sflag:s23] =	ssyncset.done $0x0  }
0xa7: {  	[sflag:s23] =	ssyncadd.s32 s7;
	_ =	sdelay $0x1  }
0xa8: {  	s24 =	simm.s32 $0x1B8B  }
0xa9: {  	_ =	swait.ge [sflag:s24], $0x1  }
0xaa: {  	[sflag:s24] =	ssyncset.done $0x0  }
0xab: {  	s25 =	simm.s32 $0x1B8E;
	[sflag:s24] =	ssyncadd.s32 $0xFFFFFFFF  }
0xac: {  	s26 =	simm.s32 $execute0_lowered;
	[smem:$0x3FD2] =	sst s25  }
0xad: {  	s7 =	sshll.u32 s26, $0x1;
	_ =	strace $0x80000046;
	[dreg:$0x1] =	wrdreg $0xFFFFFFFF  }
0xae: {  	s28 =	simm.s32 $_size_execute0_lowered;
	s6 =	sadd.s32 s6, s7;
	[dreg:$0x0] =	wrdreg $0x0  }
0xaf: {  	s7 =	sshll.u32 s28, $0x1;
	[dreg:$0x2] =	wrdreg s6  }
0xb0: {  	[dreg:$0x3] =	wrdreg s7  }
0xb1: {  	[dreg:$0x4] =	wrdreg $0xC0  }
0xb2: {  	_ =	task [dreg:s10], $0x5FFFF  }
0xb3: {  	[dreg:$0x1] =	wrdreg $0xFFFFFFFF  }
0xb4: {  	[dreg:$0x0] =	wrdreg $0x60  }
0xb5: {  	[dreg:$0x2] =	wrdreg s16  }
0xb6: {  	[dreg:$0x3] =	wrdreg s4  }
0xb7: {  	[dreg:$0x4] =	wrdreg s17  }
0xb8: {  	[dreg:$0x5] =	wrdreg s18  }
0xb9: {  	[dreg:$0x6] =	wrdreg $0xC2000  }
0xba: {  	[dreg:$0x7] =	wrdreg $0x9  }
0xbb: {  	_ =	task.clear_ibuf [dreg:s10], $0x8FFFF;
	_ =	strace $0x90000046  }
0xbc: {  	s29 =	simm.s32 $0x9;
	_ =	strace $0x80000048  }
0xbd: {  	_ =	swait.ge [sflag:s29], $0x1  }
0xbe: {  	[sflag:s29] =	ssyncadd.s32 $0xFFFFFFFF  }
0xbf: {  	_ =	strace $0x90000048  }
0xc0: {  	_ =	sfence  }
0xc1: {  	s30 =	sld [smem:$0x0];
	_ =	sdelay $0x2  }
0xc2: {  	s31 =	sshll.u32 s1, $0xD;
	s1 =	sshrl.u32 s1, $0x2  }
0xc3: {  	s3 =	sand.u32 $0x4000, s31;
	s1 =	sadd.s32 s1, s30  }
0xc4: {  	s0 =	sor.u32 s3, s0;
	s1 =	sshll.u32 s1, $0x11  }
0xc5: {  	s0 =	sor.u32 s1, s0  }
0xc6: {  	s0 =	sadd.s32 $0x8F2B, s0  }
0xc7: {  	[sflag:s0] =	ssyncadd.remote.s32 $0x1  }
0xc8: {  	_ =	sfence.sel $0xFFFF  }
0xc9: {  	[dreg:$0x0] =	wrdreg $0xFFFFFFFF;
	(pc) =	sbr.abs _section_cstart, $3  }
0xca: {  	[dreg:$0x1] =	wrdreg $0xFFFFFFFF  }
0xcb: {  	_ =	task.clear_ibuf [dreg:s10], $0x2FFFF;
	_ =	strace $0x9FFFFFFF  }
0xcc: {  	(tm) =	ssettm $0x7FFFFFFF  }
0xcd: {  	_ =	shalt  }
tec
execute0_lowered:
.L_overlay_start_1:
0x0: {  	(tag) =	ssettag $0x1  }
0x1: {  	s4 =	rddreg [dreg:$0x0]  }
0x2: {  	s0 =	rddreg [dreg:$0x1]  }
0x3: {  	s16 =	rddreg [dreg:$0x2];
	s1 =	srdreg.scid  }
0x4: {  	s9 =	rddreg [dreg:$0x3];
	s5 =	stileid.u32  }
0x5: {  	s2 =	rddreg [dreg:$0x4];
	s3 =	simm.s32 $0x0;
	s21 =	sand.u32 $0x1, s1  }
0x6: {  	s6 =	sshll.u32 s5, $0xA;
	s1 =	rddreg [dreg:$0x5];
	s7 =	sshll.u32 s21, $0x9  }
0x7: {  	[smem:$0x7FF] =	sst s3;
	p0 =	sne.s32 s5, $0x0;
	s14 =	sor.u32 s7, s6  }
0x8: {  	_ =	strace $0x80000047;
	s5 =	sshrl.u32 @!p0 s2, $0x3;
	s10 =	sshrl.u32 s14, $0x3  }
0x9: {  	s6 =	simm.s32 @!p0 $0x1C04;
	s7 =	simm.s32 @!p0 $0x4;
	s4 =	sadd.s32 s4, s10  }
0xa: {  	[tilespmem:s3], [sflag:$0x2] =	stream.linear.gather [hbm4b:s4+s3], $0x200, $0x38;
	[tilespmem:$0xC240] =	vst v63  }
0xb: {  	[spmem:s5], [sflag:s6] =	dma.local @!p0 [hbm:s0], $0x80  }
0xc: {  	_ =	swait.ge @!p0 [sflag:s7], $0x80  }
0xd: {  	[sflag:s7] =	ssyncset.done @!p0 $0x0  }
0xe: {  	s8 =	simm.s32 $0x2;
	[sflag:s7] =	ssyncadd.s32 @!p0 $0xFFFFFF80  }
0xf: {  	_ =	swait.ge [sflag:s8], $0x200  }
0x10: {  	[sflag:s8] =	ssyncset.done $0x0  }
0x11: {  	s9 =	sadd.s32 s9, s10;
	[sflag:s8] =	ssyncadd.s32 $0xFFFFFE00  }
0x12: {  	[hbm4b:s9+s3] =	stream.linear.scatter [tilespmem:s3], [sflag:$0x3], $0x200, $0x38;
	[tilespmem:$0xC240] =	vst v63  }
0x13: {  	s11 =	simm.s32 $0x200;
	s10 =	simm.s32 $0x80;
	[bflag:$0x0] =	sbarrier.arrive $0xFFFF  }
0x14: {  	[tilespmem:s11], [sflag:$0x1] =	stream.indirect.gather [spmem:s2], $0x80, s3, s10, $0xb8;
	[tilespmem:$0xC240] =	vst v63  }
0x15: {  	s12 =	simm.s32 $0x4200;
	s13 =	simm.s32 $0x1  }
0x16: {  	[tilespmem:s12], [sflag:$0x1] =	stream.indirect.gather [spmem:s2], $0x80, s10, s10, $0xb8;
	[tilespmem:$0xC240] =	vst v63  }
0x17: {  	_ =	swait.ge [sflag:s13], $0x4000  }
0x18: {  	s15 =	simm.s32 $0x8200;
	[sflag:s13] =	ssyncset.done $0x0  }
0x19: {  	s17 =	sshll.u32 s14, $0x4;
	s14 =	simm.s32 $0x100;
	[sflag:s13] =	ssyncadd.s32 $0xFFFFC000  }
0x1a: {  	[tilespmem:s15], [sflag:$0x1] =	stream.indirect.gather [spmem:s2], $0x80, s14, s10, $0xb8;
	[tilespmem:$0xC240] =	vst v63  }
0x1b: {  	s16 =	sadd.s32 s16, s17  }
0x1c: {  	[hbm4b:s16+s3] =	stream.linear.scatter [tilespmem:s11], [sflag:$0x2], $0x4000, $0x38;
	[tilespmem:$0xC240] =	vst v63  }
0x1d: {  	_ =	swait.ge [sflag:s13], $0x4000  }
0x1e: {  	[sflag:s13] =	ssyncset.done $0x0  }
0x1f: {  	s17 =	simm.s32 $0x180;
	[sflag:s13] =	ssyncadd.s32 $0xFFFFC000  }
0x20: {  	[tilespmem:s11], [sflag:$0x1] =	stream.indirect.gather [spmem:s2], $0x80, s17, s10, $0xb8;
	[tilespmem:$0xC240] =	vst v63  }
0x21: {  	s18 =	sadd.s32 $0x800, s16  }
0x22: {  	[hbm4b:s18+s3] =	stream.linear.scatter [tilespmem:s12], [sflag:$0x2], $0x4000, $0x38;
	[tilespmem:$0xC240] =	vst v63  }
0x23: {  	_ =	swait.ge [sflag:s13], $0x4000  }
0x24: {  	[sflag:s13] =	ssyncset.done $0x0  }
0x25: {  	[sflag:s13] =	ssyncadd.s32 $0xFFFFC000  }
0x26: {  	_ =	swait.ge [sflag:s8], $0x4000  }
0x27: {  	[sflag:s8] =	ssyncset.done $0x0  }
0x28: {  	s19 =	sadd.s32 $0x1000, s16;
	[sflag:s8] =	ssyncadd.s32 $0xFFFFC000  }
0x29: {  	[hbm4b:s19+s3] =	stream.linear.scatter [tilespmem:s15], [sflag:$0x2], $0x4000, $0x38;
	[tilespmem:$0xC240] =	vst v63  }
0x2a: {  	_ =	swait.ge [sflag:s13], $0x4000  }
0x2b: {  	[sflag:s13] =	ssyncset.done $0x0  }
0x2c: {  	[sflag:s13] =	ssyncadd.s32 $0xFFFFC000  }
0x2d: {  	s21 =	ssub.s32 $0x2, s21;
	_ =	swait.ge [sflag:s8], $0x4000  }
0x2e: {  	s22 =	sshrl.u32 s21, $0x1;
	[sflag:s8] =	ssyncset.done $0x0  }
0x2f: {  	s21 =	ssub.s32 s21, s22;
	s20 =	sadd.s32 $0x1800, s16;
	[sflag:s8] =	ssyncadd.s32 $0xFFFFC000  }
0x30: {  	[hbm4b:s20+s3] =	stream.linear.scatter [tilespmem:s11], [sflag:$0x2], $0x4000, $0x38;
	[tilespmem:$0xC240] =	vst v63  }
0x31: {  	s22 =	smax.u32 s21, $0x1;
	_ =	swait.ge [sflag:s8], $0x4000  }
0x32: {  	s22 =	sadd.s32 $0xFFFFFFFF, s22;
	[sflag:s8] =	ssyncset.done $0x0  }
0x33: {  	p1 =	sne.s32 s22, $0x0;
	[sflag:s8] =	ssyncadd.s32 $0xFFFFC000  }
.Ltmp0:
0x34: {  	_ =	swait.ge [sflag:s8], $0x4000;
	(pc) =	sbr.rel @!p1 .LBB2_2-.Ltmp0, $4  }
0x35: {  	[sflag:s8] =	ssyncset.done $0x0  }
0x36: {  	s21 =	simm.s32 $0x3;
	[sflag:s8] =	ssyncadd.s32 $0xFFFFC000  }
0x37: {  	_ =	swait.ge [sflag:s21], $0x200  }
0x38: {  	[sflag:s21] =	ssyncset.done $0x0  }
.LBB2_1:
0x39: {  	[sflag:s21] =	ssyncadd.s32 $0xFFFFFE00  }
0x3a: {  	[tilespmem:s3], [sflag:$0x2] =	stream.linear.gather [hbm4b:s4+s3], $0x200, $0x38;
	[tilespmem:$0xC240] =	vst v63  }
0x3b: {  	[spmem:s5], [sflag:s6] =	dma.local @!p0 [hbm:s0], $0x80  }
0x3c: {  	s22 =	sadd.s32 $0xFFFFFFFF, s22;
	_ =	swait.ge @!p0 [sflag:s7], $0x80  }
0x3d: {  	p1 =	sne.s32 s22, $0x0;
	[sflag:s7] =	ssyncset.done @!p0 $0x0  }
0x3e: {  	[sflag:s7] =	ssyncadd.s32 @!p0 $0xFFFFFF80  }
0x3f: {  	_ =	swait.ge [sflag:s8], $0x200  }
0x40: {  	[sflag:s8] =	ssyncset.done $0x0  }
0x41: {  	[sflag:s8] =	ssyncadd.s32 $0xFFFFFE00  }
0x42: {  	[hbm4b:s9+s3] =	stream.linear.scatter [tilespmem:s3], [sflag:$0x3], $0x200, $0x38;
	[tilespmem:$0xC240] =	vst v63  }
0x43: {  	[bflag:$0x0] =	sbarrier.arrive $0xFFFF  }
0x44: {  	[tilespmem:s11], [sflag:$0x1] =	stream.indirect.gather [spmem:s2], $0x80, s3, s10, $0xb8;
	[tilespmem:$0xC240] =	vst v63  }
0x45: {  	_ = 	snop  }
0x46: {  	[tilespmem:s12], [sflag:$0x1] =	stream.indirect.gather [spmem:s2], $0x80, s10, s10, $0xb8;
	[tilespmem:$0xC240] =	vst v63  }
0x47: {  	_ =	swait.ge [sflag:s13], $0x4000  }
0x48: {  	[sflag:s13] =	ssyncset.done $0x0  }
0x49: {  	[sflag:s13] =	ssyncadd.s32 $0xFFFFC000  }
0x4a: {  	[tilespmem:s15], [sflag:$0x1] =	stream.indirect.gather [spmem:s2], $0x80, s14, s10, $0xb8;
	[tilespmem:$0xC240] =	vst v63  }
0x4b: {  	_ = 	snop  }
0x4c: {  	[hbm4b:s16+s3] =	stream.linear.scatter [tilespmem:s11], [sflag:$0x2], $0x4000, $0x38;
	[tilespmem:$0xC240] =	vst v63  }
0x4d: {  	_ =	swait.ge [sflag:s13], $0x4000  }
0x4e: {  	[sflag:s13] =	ssyncset.done $0x0  }
0x4f: {  	[sflag:s13] =	ssyncadd.s32 $0xFFFFC000  }
0x50: {  	[tilespmem:s11], [sflag:$0x1] =	stream.indirect.gather [spmem:s2], $0x80, s17, s10, $0xb8;
	[tilespmem:$0xC240] =	vst v63  }
0x51: {  	_ = 	snop  }
0x52: {  	[hbm4b:s18+s3] =	stream.linear.scatter [tilespmem:s12], [sflag:$0x2], $0x4000, $0x38;
	[tilespmem:$0xC240] =	vst v63  }
0x53: {  	_ =	swait.ge [sflag:s13], $0x4000  }
0x54: {  	[sflag:s13] =	ssyncset.done $0x0  }
0x55: {  	[sflag:s13] =	ssyncadd.s32 $0xFFFFC000  }
0x56: {  	_ =	swait.ge [sflag:s8], $0x4000  }
0x57: {  	[sflag:s8] =	ssyncset.done $0x0  }
0x58: {  	[sflag:s8] =	ssyncadd.s32 $0xFFFFC000  }
0x59: {  	[hbm4b:s19+s3] =	stream.linear.scatter [tilespmem:s15], [sflag:$0x2], $0x4000, $0x38;
	[tilespmem:$0xC240] =	vst v63  }
0x5a: {  	_ =	swait.ge [sflag:s13], $0x4000  }
0x5b: {  	[sflag:s13] =	ssyncset.done $0x0  }
0x5c: {  	[sflag:s13] =	ssyncadd.s32 $0xFFFFC000  }
0x5d: {  	_ =	swait.ge [sflag:s8], $0x4000  }
0x5e: {  	[sflag:s8] =	ssyncset.done $0x0  }
0x5f: {  	[sflag:s8] =	ssyncadd.s32 $0xFFFFC000  }
0x60: {  	[hbm4b:s20+s3] =	stream.linear.scatter [tilespmem:s11], [sflag:$0x2], $0x4000, $0x38;
	[tilespmem:$0xC240] =	vst v63  }
0x61: {  	_ =	swait.ge [sflag:s8], $0x4000  }
0x62: {  	[sflag:s8] =	ssyncset.done $0x0  }
0x63: {  	[sflag:s8] =	ssyncadd.s32 $0xFFFFC000  }
.Ltmp1:
0x64: {  	_ =	swait.ge [sflag:s8], $0x4000;
	(pc) =	sbr.rel @p1 .LBB2_1-.Ltmp1, $4  }
0x65: {  	[sflag:s8] =	ssyncset.done $0x0  }
0x66: {  	[sflag:s8] =	ssyncadd.s32 $0xFFFFC000  }
0x67: {  	_ =	swait.ge [sflag:s21], $0x200  }
0x68: {  	[sflag:s21] =	ssyncset.done $0x0  }
.LBB2_2:
0x69: {  	[sflag:s21] =	ssyncadd.s32 $0xFFFFFE00  }
0x6a: {  	_ =	sfence.sel $0x180000  }
0x6b: {  	[bflag:$0x0] =	sbarrier.arrive $0xFFFF  }
0x6c: {  	_ =	strace $0x90000047  }
0x6d: {  	s0 =	sadd.s32 @!p0 $0x100000, s1;
	[bflag:$0x2] =	sbarrier.arrive $0xFFFF  }
0x6e: {  	[sflag:s0] =	ssyncadd.tile.s32 @!p0 $0x1;
	_ =	shalt  }
.Lfunc_end2:
_tile_overlayer_lowered:
.L_overlay_start_2:
0x6f: {  	(tag) =	ssettag $0x2  }
0x70: {  	s0 =	rddreg [dreg:$0x0];
	s2 =	stileid.u32  }
0x71: {  	s1 =	rddreg [dreg:$0x1];
	p0 =	sne.s32 s2, $0x0  }
0x72: {  	s3 =	rddreg [dreg:$0x2];
	[bflag:$0x3] =	sbarrier.arrive $0xFFFF;
	s2 =	simm.s32 @!p0 $0x1C04  }
0x73: {  	[timem:s3], [sflag:s2] =	dma.local @!p0 [hbm:s0], s1  }
0x74: {  	s0 =	simm.s32 @!p0 $0x4  }
0x75: {  	_ =	swait.ge @!p0 [sflag:s0], s1  }
0x76: {  	s1 =	ssub.s32 @!p0 $0x0, s1;
	[sflag:s0] =	ssyncset.done @!p0 $0x0  }
0x77: {  	[sflag:s0] =	ssyncadd.s32 @!p0 s1  }
0x78: {  	[bflag:$0x3] =	sbarrier.arrive $0xFFFF  }
0x79: {  	_ =	shalt  }

</sc_bundles>
